<compile_context>
chip_gen: v7x
topology: tpu7x:2x2x1
jax: 0.10.2.dev20260603
libtpu: 0.0.44.dev20260713+nightly
codegen_flags: <defaults>
</compile_context>

<pallas_src>
import functools

import jax
import jax.numpy as jnp
from jax import lax
from jax.experimental import pallas as pl
from jax.experimental.pallas import tpu as pltpu
from jax.experimental.pallas import tpu_sc as plsc

_LANES = 16
_NC = 2
_NS = 16
_NW = _NC * _NS
_TAB_SIZE = 120
_CHUNKS = 2


@functools.lru_cache(maxsize=None)
def _make_convert(n):
    per_w = n // _NW
    chunk = per_w // _CHUNKS
    mesh = plsc.VectorSubcoreMesh(core_axis_name="c", subcore_axis_name="s")

    @functools.partial(
        pl.kernel,
        mesh=mesh,
        out_type=jax.ShapeDtypeStruct((n,), jnp.int32),
        compiler_params=pltpu.CompilerParams(needs_layout_passes=False),
        scratch_types=[
            pltpu.VMEM((2, chunk), jnp.int32),
            pltpu.VMEM((2, chunk), jnp.int32),
            pltpu.VMEM((_TAB_SIZE,), jnp.int32),
            pltpu.SemaphoreType.DMA,
            pltpu.SemaphoreType.DMA,
            pltpu.SemaphoreType.DMA,
            pltpu.SemaphoreType.DMA,
            pltpu.SemaphoreType.DMA,
        ],
    )
    def convert(species_hbm, conv_hbm, out_hbm, idx_v, out_v, tab_v,
                si0, si1, so0, so1, st):
        wid = lax.axis_index("s") * _NC + lax.axis_index("c")
        base = wid * per_w
        tab_h = pltpu.async_copy(conv_hbm, tab_v, st)
        sin = (si0, si1)
        sout = (so0, so1)
        in_h = [None, None]
        out_h = [None, None]
        in_h[0] = pltpu.async_copy(
            species_hbm.at[pl.ds(base, chunk)], idx_v.at[0], sin[0])
        tab_h.wait()
        for k in range(_CHUNKS):
            b = k % 2
            if k + 1 < _CHUNKS:
                nb = (k + 1) % 2
                in_h[nb] = pltpu.async_copy(
                    species_hbm.at[pl.ds(base + (k + 1) * chunk, chunk)],
                    idx_v.at[nb], sin[nb])
            in_h[b].wait()

            @plsc.parallel_loop(0, chunk, step=_LANES, unroll=16)
            def _gather_body(off, _b=b):
                idx = idx_v[_b, pl.ds(off, _LANES)]
                out_v[_b, pl.ds(off, _LANES)] = plsc.load_gather(tab_v, [idx])

            if k >= 2:
                out_h[b].wait()
            out_h[b] = pltpu.async_copy(
                out_v.at[b], out_hbm.at[pl.ds(base + k * chunk, chunk)], sout[b])
        out_h[(_CHUNKS - 2) % 2].wait()
        out_h[(_CHUNKS - 1) % 2].wait()

    return convert


def kernel(species, coordinates, conv_tensor):
    n = species.size
    out_flat = _make_convert(n)(species.reshape(n), conv_tensor)
    return out_flat.reshape(species.shape), coordinates

# --- scband reference (transcript-rebuilt; emitter-appended) ---
"""Pipeline reference for scband-species-converter-10746008175421 (READ-ONLY COPY).

The authoritative reference and input builder live on the scoring server;
editing this copy changes nothing except your own understanding.
"""

import jax, jax.numpy as jnp
import numpy as np

# SpeciesConverter: species list ['Dummy','H','He','Li','Be','B','C','N','O'] maps
# periodic-table indices 0..8 -> internal indices 0..8 (torchani PERIODIC_TABLE has a
# leading 'Dummy' entry at index 0). maxidx = 118, conv_tensor has maxidx+2 = 120 slots.

B = 16384
A = 64
NUM_SPECIES = 9
TABLE_SIZE = 120  # maxidx + 2


def setup_inputs(seed: int = 0) -> dict:
    key = jax.random.key(seed)
    k1, k2 = jax.random.split(key)
    species = jax.random.randint(k1, (B, A), 0, NUM_SPECIES, dtype=jnp.int32)
    coordinates = jax.random.normal(k2, (B, A, 3), dtype=jnp.float32)
    # conv_tensor buffer: full(-1) then conv_tensor[periodic_index(s)] = i for each species
    conv_tensor = jnp.full((TABLE_SIZE,), -1, dtype=jnp.int32)
    conv_tensor = conv_tensor.at[jnp.arange(NUM_SPECIES)].set(jnp.arange(NUM_SPECIES, dtype=jnp.int32))
    return {"species": species, "coordinates": coordinates, "conv_tensor": conv_tensor}


def reference(species, coordinates, conv_tensor):
    # converted_species = self.conv_tensor[species]  (embedding-style gather)
    converted_species = jnp.take(conv_tensor, species, axis=0)
    # The torch module raises on unknown species; setup guarantees all indices are
    # valid, so the data-dependent check is a no-op here.
    return (converted_species, coordinates)

if __name__ == "__main__":
    import jax
    _d = setup_inputs()
    print(jax.jit(kernel)(*tuple(_d.values())))

</pallas_src>

<mosaic_0001>
#map = affine_map<(d0, d1) -> (0)>
module attributes {stable_mosaic.version = 14 : i64} {
  func.func @convert(%arg0: i32, %arg1: i32, %arg2: memref<1048576xi32, #tpu.memory_space<hbm>>, %arg3: memref<120xi32, #tpu.memory_space<hbm>>, %arg4: memref<1048576xi32, #tpu.memory_space<hbm>>, %arg5: memref<2x16384xi32, #tpu.memory_space<vmem>>, %arg6: memref<2x16384xi32, #tpu.memory_space<vmem>>, %arg7: memref<120xi32, #tpu.memory_space<vmem>>, %arg8: memref<!tpu.dma_semaphore, #tpu.memory_space<semaphore_mem>>, %arg9: memref<!tpu.dma_semaphore, #tpu.memory_space<semaphore_mem>>, %arg10: memref<!tpu.dma_semaphore, #tpu.memory_space<semaphore_mem>>, %arg11: memref<!tpu.dma_semaphore, #tpu.memory_space<semaphore_mem>>, %arg12: memref<!tpu.dma_semaphore, #tpu.memory_space<semaphore_mem>>) attributes {dimension_semantics = [#tpu.dimension_semantics<core_parallel>, #tpu.dimension_semantics<subcore_parallel>], iteration_bounds = array<i64: 2, 16>, scalar_prefetch = 0 : i64, scratch_operands = 8 : i64, tpu.core_type = #tpu.core_type<sc_vector_subcore>, window_params = [{transform_indices = #map}, {transform_indices = #map}, {transform_indices = #map}]} {
    %mul3A = arith.constant 2 : i32
    %mul3A_0 = arith.muli %arg1, %mul3A : i32
    %add3A = arith.addi %mul3A_0, %arg0 : i32
    %mul3A_1 = arith.constant 32768 : i32
    %mul3A_2 = arith.muli %add3A, %mul3A_1 : i32
    tpu.enqueue_dma source(%arg3 : memref<120xi32, #tpu.memory_space<hbm>>) target(%arg7 : memref<120xi32, #tpu.memory_space<vmem>>) target_semaphore(%arg12 : memref<!tpu.dma_semaphore, #tpu.memory_space<semaphore_mem>>)
    %dma_start3A = arith.constant 0 : i32
    %dma_start3A_3 = arith.constant 0 : i32
    %dma_start3A_4 = tpu.memref_slice %arg5[%dma_start3A, %dma_start3A_3] : memref<2x16384xi32, #tpu.memory_space<vmem>> -> memref<1x16384xi32, #tpu.memory_space<vmem>>
    %dma_start3A_5 = tpu.memref_squeeze %dma_start3A_4 : memref<1x16384xi32, #tpu.memory_space<vmem>> -> memref<16384xi32, #tpu.memory_space<vmem>>
    %dma_start3A_6 = tpu.memref_slice %arg2[%mul3A_2] : memref<1048576xi32, #tpu.memory_space<hbm>> -> memref<16384xi32, #tpu.memory_space<hbm>>
    %dma_start3A_7 = arith.constant 0 : i32
    %dma_start3A_8 = tpu.memref_slice %arg5[%dma_start3A, %dma_start3A_7] : memref<2x16384xi32, #tpu.memory_space<vmem>> -> memref<1x16384xi32, #tpu.memory_space<vmem>>
    %dma_start3A_9 = tpu.memref_squeeze %dma_start3A_8 : memref<1x16384xi32, #tpu.memory_space<vmem>> -> memref<16384xi32, #tpu.memory_space<vmem>>
    %dma_start3A_10 = tpu.memref_slice %arg2[%mul3A_2] : memref<1048576xi32, #tpu.memory_space<hbm>> -> memref<16384xi32, #tpu.memory_space<hbm>>
    tpu.enqueue_dma source(%dma_start3A_10 : memref<16384xi32, #tpu.memory_space<hbm>>) target(%dma_start3A_9 : memref<16384xi32, #tpu.memory_space<vmem>>) target_semaphore(%arg8 : memref<!tpu.dma_semaphore, #tpu.memory_space<semaphore_mem>>)
    tpu.wait_dma2 semaphore(%arg12 : memref<!tpu.dma_semaphore, #tpu.memory_space<semaphore_mem>>) src(%arg3 : memref<120xi32, #tpu.memory_space<hbm>>) dst(%arg7 : memref<120xi32, #tpu.memory_space<vmem>>)
    %add3A_11 = arith.constant 16384 : i32
    %add3A_12 = arith.addi %mul3A_2, %add3A_11 : i32
    %dma_start3A_13 = arith.constant 1 : i32
    %dma_start3A_14 = arith.constant 0 : i32
    %dma_start3A_15 = tpu.memref_slice %arg5[%dma_start3A_13, %dma_start3A_14] : memref<2x16384xi32, #tpu.memory_space<vmem>> -> memref<1x16384xi32, #tpu.memory_space<vmem>>
    %dma_start3A_16 = tpu.memref_squeeze %dma_start3A_15 : memref<1x16384xi32, #tpu.memory_space<vmem>> -> memref<16384xi32, #tpu.memory_space<vmem>>
    %dma_start3A_17 = tpu.memref_slice %arg2[%add3A_12] : memref<1048576xi32, #tpu.memory_space<hbm>> -> memref<16384xi32, #tpu.memory_space<hbm>>
    %dma_start3A_18 = arith.constant 0 : i32
    %dma_start3A_19 = tpu.memref_slice %arg5[%dma_start3A_13, %dma_start3A_18] : memref<2x16384xi32, #tpu.memory_space<vmem>> -> memref<1x16384xi32, #tpu.memory_space<vmem>>
    %dma_start3A_20 = tpu.memref_squeeze %dma_start3A_19 : memref<1x16384xi32, #tpu.memory_space<vmem>> -> memref<16384xi32, #tpu.memory_space<vmem>>
    %dma_start3A_21 = tpu.memref_slice %arg2[%add3A_12] : memref<1048576xi32, #tpu.memory_space<hbm>> -> memref<16384xi32, #tpu.memory_space<hbm>>
    tpu.enqueue_dma source(%dma_start3A_21 : memref<16384xi32, #tpu.memory_space<hbm>>) target(%dma_start3A_20 : memref<16384xi32, #tpu.memory_space<vmem>>) target_semaphore(%arg9 : memref<!tpu.dma_semaphore, #tpu.memory_space<semaphore_mem>>)
    %dma_wait3A = arith.constant 0 : i32
    %dma_wait3A_22 = arith.constant 0 : i32
    %dma_wait3A_23 = tpu.memref_slice %arg5[%dma_wait3A, %dma_wait3A_22] : memref<2x16384xi32, #tpu.memory_space<vmem>> -> memref<1x16384xi32, #tpu.memory_space<vmem>>
    %dma_wait3A_24 = tpu.memref_squeeze %dma_wait3A_23 : memref<1x16384xi32, #tpu.memory_space<vmem>> -> memref<16384xi32, #tpu.memory_space<vmem>>
    %dma_wait3A_25 = tpu.memref_slice %arg2[%mul3A_2] : memref<1048576xi32, #tpu.memory_space<hbm>> -> memref<16384xi32, #tpu.memory_space<hbm>>
    %dma_wait3A_26 = arith.constant 0 : i32
    %dma_wait3A_27 = tpu.memref_slice %arg5[%dma_wait3A, %dma_wait3A_26] : memref<2x16384xi32, #tpu.memory_space<vmem>> -> memref<1x16384xi32, #tpu.memory_space<vmem>>
    %dma_wait3A_28 = tpu.memref_squeeze %dma_wait3A_27 : memref<1x16384xi32, #tpu.memory_space<vmem>> -> memref<16384xi32, #tpu.memory_space<vmem>>
    %dma_wait3A_29 = tpu.memref_slice %arg2[%mul3A_2] : memref<1048576xi32, #tpu.memory_space<hbm>> -> memref<16384xi32, #tpu.memory_space<hbm>>
    tpu.wait_dma2 semaphore(%arg8 : memref<!tpu.dma_semaphore, #tpu.memory_space<semaphore_mem>>) src(%dma_wait3A_29 : memref<16384xi32, #tpu.memory_space<hbm>>) dst(%dma_wait3A_28 : memref<16384xi32, #tpu.memory_space<vmem>>)
    %parallel_loop3A = arith.constant 0 : i32
    %parallel_loop3A_30 = arith.constant 16384 : i32
    %parallel_loop3A_31 = arith.constant 16 : i32
    scf.for %parallel_loop3A_84 = %parallel_loop3A to %parallel_loop3A_30 step %parallel_loop3A_31  : i32 {
      %parallel_loop3A_85 = arith.constant 0 : i32
      %parallel_loop3A_86 = arith.index_cast %parallel_loop3A_85 : i32 to index
      %parallel_loop3A_87 = arith.index_cast %parallel_loop3A_84 : i32 to index
      %parallel_loop3A_88 = tpu.vector_load %arg5[%parallel_loop3A_86, %parallel_loop3A_87] {strides = array<i32>} : memref<2x16384xi32, #tpu.memory_space<vmem>>, vector<16xi32>,
      %parallel_loop3A_89 = tpu.vector_load_idx %arg7[%parallel_loop3A_88] : memref<120xi32, #tpu.memory_space<vmem>>[vector<16xi32>], vector<16xi32>,
      %parallel_loop3A_90 = arith.constant 0 : i32
      %parallel_loop3A_91 = arith.index_cast %parallel_loop3A_90 : i32 to index
      %parallel_loop3A_92 = arith.index_cast %parallel_loop3A_84 : i32 to index
      %parallel_loop3A_93 = tpu.vector_load %arg6[%parallel_loop3A_91, %parallel_loop3A_92] {strides = array<i32>} : memref<2x16384xi32, #tpu.memory_space<vmem>>, vector<16xi32>,
      tpu.vector_store %arg6[%parallel_loop3A_91, %parallel_loop3A_92], %parallel_loop3A_89 {strides = array<i32>} : memref<2x16384xi32, #tpu.memory_space<vmem>>, vector<16xi32>,
    } {sc.loop_unroll_factor = 16 : i64, sc.parallel_access}
    %add3A_32 = arith.constant 0 : i32
    %add3A_33 = arith.addi %mul3A_2, %add3A_32 : i32
    %dma_start3A_34 = arith.constant 0 : i32
    %dma_start3A_35 = arith.constant 0 : i32
    %dma_start3A_36 = tpu.memref_slice %arg6[%dma_start3A_34, %dma_start3A_35] : memref<2x16384xi32, #tpu.memory_space<vmem>> -> memref<1x16384xi32, #tpu.memory_space<vmem>>
    %dma_start3A_37 = tpu.memref_squeeze %dma_start3A_36 : memref<1x16384xi32, #tpu.memory_space<vmem>> -> memref<16384xi32, #tpu.memory_space<vmem>>
    %dma_start3A_38 = tpu.memref_slice %arg4[%add3A_33] : memref<1048576xi32, #tpu.memory_space<hbm>> -> memref<16384xi32, #tpu.memory_space<hbm>>
    %dma_start3A_39 = tpu.memref_slice %arg4[%add3A_33] : memref<1048576xi32, #tpu.memory_space<hbm>> -> memref<16384xi32, #tpu.memory_space<hbm>>
    %dma_start3A_40 = arith.constant 0 : i32
    %dma_start3A_41 = tpu.memref_slice %arg6[%dma_start3A_34, %dma_start3A_40] : memref<2x16384xi32, #tpu.memory_space<vmem>> -> memref<1x16384xi32, #tpu.memory_space<vmem>>
    %dma_start3A_42 = tpu.memref_squeeze %dma_start3A_41 : memref<1x16384xi32, #tpu.memory_space<vmem>> -> memref<16384xi32, #tpu.memory_space<vmem>>
    tpu.enqueue_dma source(%dma_start3A_42 : memref<16384xi32, #tpu.memory_space<vmem>>) target(%dma_start3A_39 : memref<16384xi32, #tpu.memory_space<hbm>>) target_semaphore(%arg10 : memref<!tpu.dma_semaphore, #tpu.memory_space<semaphore_mem>>)
    %dma_wait3A_43 = arith.constant 1 : i32
    %dma_wait3A_44 = arith.constant 0 : i32
    %dma_wait3A_45 = tpu.memref_slice %arg5[%dma_wait3A_43, %dma_wait3A_44] : memref<2x16384xi32, #tpu.memory_space<vmem>> -> memref<1x16384xi32, #tpu.memory_space<vmem>>
    %dma_wait3A_46 = tpu.memref_squeeze %dma_wait3A_45 : memref<1x16384xi32, #tpu.memory_space<vmem>> -> memref<16384xi32, #tpu.memory_space<vmem>>
    %dma_wait3A_47 = tpu.memref_slice %arg2[%add3A_12] : memref<1048576xi32, #tpu.memory_space<hbm>> -> memref<16384xi32, #tpu.memory_space<hbm>>
    %dma_wait3A_48 = arith.constant 0 : i32
    %dma_wait3A_49 = tpu.memref_slice %arg5[%dma_wait3A_43, %dma_wait3A_48] : memref<2x16384xi32, #tpu.memory_space<vmem>> -> memref<1x16384xi32, #tpu.memory_space<vmem>>
    %dma_wait3A_50 = tpu.memref_squeeze %dma_wait3A_49 : memref<1x16384xi32, #tpu.memory_space<vmem>> -> memref<16384xi32, #tpu.memory_space<vmem>>
    %dma_wait3A_51 = tpu.memref_slice %arg2[%add3A_12] : memref<1048576xi32, #tpu.memory_space<hbm>> -> memref<16384xi32, #tpu.memory_space<hbm>>
    tpu.wait_dma2 semaphore(%arg9 : memref<!tpu.dma_semaphore, #tpu.memory_space<semaphore_mem>>) src(%dma_wait3A_51 : memref<16384xi32, #tpu.memory_space<hbm>>) dst(%dma_wait3A_50 : memref<16384xi32, #tpu.memory_space<vmem>>)
    %parallel_loop3A_52 = arith.constant 0 : i32
    %parallel_loop3A_53 = arith.constant 16384 : i32
    %parallel_loop3A_54 = arith.constant 16 : i32
    scf.for %parallel_loop3A_84 = %parallel_loop3A_52 to %parallel_loop3A_53 step %parallel_loop3A_54  : i32 {
      %parallel_loop3A_85 = arith.constant 1 : i32
      %parallel_loop3A_86 = arith.index_cast %parallel_loop3A_85 : i32 to index
      %parallel_loop3A_87 = arith.index_cast %parallel_loop3A_84 : i32 to index
      %parallel_loop3A_88 = tpu.vector_load %arg5[%parallel_loop3A_86, %parallel_loop3A_87] {strides = array<i32>} : memref<2x16384xi32, #tpu.memory_space<vmem>>, vector<16xi32>,
      %parallel_loop3A_89 = tpu.vector_load_idx %arg7[%parallel_loop3A_88] : memref<120xi32, #tpu.memory_space<vmem>>[vector<16xi32>], vector<16xi32>,
      %parallel_loop3A_90 = arith.constant 1 : i32
      %parallel_loop3A_91 = arith.index_cast %parallel_loop3A_90 : i32 to index
      %parallel_loop3A_92 = arith.index_cast %parallel_loop3A_84 : i32 to index
      %parallel_loop3A_93 = tpu.vector_load %arg6[%parallel_loop3A_91, %parallel_loop3A_92] {strides = array<i32>} : memref<2x16384xi32, #tpu.memory_space<vmem>>, vector<16xi32>,
      tpu.vector_store %arg6[%parallel_loop3A_91, %parallel_loop3A_92], %parallel_loop3A_89 {strides = array<i32>} : memref<2x16384xi32, #tpu.memory_space<vmem>>, vector<16xi32>,
    } {sc.loop_unroll_factor = 16 : i64, sc.parallel_access}
    %add3A_55 = arith.constant 16384 : i32
    %add3A_56 = arith.addi %mul3A_2, %add3A_55 : i32
    %dma_start3A_57 = arith.constant 1 : i32
    %dma_start3A_58 = arith.constant 0 : i32
    %dma_start3A_59 = tpu.memref_slice %arg6[%dma_start3A_57, %dma_start3A_58] : memref<2x16384xi32, #tpu.memory_space<vmem>> -> memref<1x16384xi32, #tpu.memory_space<vmem>>
    %dma_start3A_60 = tpu.memref_squeeze %dma_start3A_59 : memref<1x16384xi32, #tpu.memory_space<vmem>> -> memref<16384xi32, #tpu.memory_space<vmem>>
    %dma_start3A_61 = tpu.memref_slice %arg4[%add3A_56] : memref<1048576xi32, #tpu.memory_space<hbm>> -> memref<16384xi32, #tpu.memory_space<hbm>>
    %dma_start3A_62 = tpu.memref_slice %arg4[%add3A_56] : memref<1048576xi32, #tpu.memory_space<hbm>> -> memref<16384xi32, #tpu.memory_space<hbm>>
    %dma_start3A_63 = arith.constant 0 : i32
    %dma_start3A_64 = tpu.memref_slice %arg6[%dma_start3A_57, %dma_start3A_63] : memref<2x16384xi32, #tpu.memory_space<vmem>> -> memref<1x16384xi32, #tpu.memory_space<vmem>>
    %dma_start3A_65 = tpu.memref_squeeze %dma_start3A_64 : memref<1x16384xi32, #tpu.memory_space<vmem>> -> memref<16384xi32, #tpu.memory_space<vmem>>
    tpu.enqueue_dma source(%dma_start3A_65 : memref<16384xi32, #tpu.memory_space<vmem>>) target(%dma_start3A_62 : memref<16384xi32, #tpu.memory_space<hbm>>) target_semaphore(%arg11 : memref<!tpu.dma_semaphore, #tpu.memory_space<semaphore_mem>>)
    %dma_wait3A_66 = arith.constant 0 : i32
    %dma_wait3A_67 = arith.constant 0 : i32
    %dma_wait3A_68 = tpu.memref_slice %arg6[%dma_wait3A_66, %dma_wait3A_67] : memref<2x16384xi32, #tpu.memory_space<vmem>> -> memref<1x16384xi32, #tpu.memory_space<vmem>>
    %dma_wait3A_69 = tpu.memref_squeeze %dma_wait3A_68 : memref<1x16384xi32, #tpu.memory_space<vmem>> -> memref<16384xi32, #tpu.memory_space<vmem>>
    %dma_wait3A_70 = tpu.memref_slice %arg4[%add3A_33] : memref<1048576xi32, #tpu.memory_space<hbm>> -> memref<16384xi32, #tpu.memory_space<hbm>>
    %dma_wait3A_71 = tpu.memref_slice %arg4[%add3A_33] : memref<1048576xi32, #tpu.memory_space<hbm>> -> memref<16384xi32, #tpu.memory_space<hbm>>
    %dma_wait3A_72 = arith.constant 0 : i32
    %dma_wait3A_73 = tpu.memref_slice %arg6[%dma_wait3A_66, %dma_wait3A_72] : memref<2x16384xi32, #tpu.memory_space<vmem>> -> memref<1x16384xi32, #tpu.memory_space<vmem>>
    %dma_wait3A_74 = tpu.memref_squeeze %dma_wait3A_73 : memref<1x16384xi32, #tpu.memory_space<vmem>> -> memref<16384xi32, #tpu.memory_space<vmem>>
    tpu.wait_dma2 semaphore(%arg10 : memref<!tpu.dma_semaphore, #tpu.memory_space<semaphore_mem>>) src(%dma_wait3A_74 : memref<16384xi32, #tpu.memory_space<vmem>>) dst(%dma_wait3A_71 : memref<16384xi32, #tpu.memory_space<hbm>>)
    %dma_wait3A_75 = arith.constant 1 : i32
    %dma_wait3A_76 = arith.constant 0 : i32
    %dma_wait3A_77 = tpu.memref_slice %arg6[%dma_wait3A_75, %dma_wait3A_76] : memref<2x16384xi32, #tpu.memory_space<vmem>> -> memref<1x16384xi32, #tpu.memory_space<vmem>>
    %dma_wait3A_78 = tpu.memref_squeeze %dma_wait3A_77 : memref<1x16384xi32, #tpu.memory_space<vmem>> -> memref<16384xi32, #tpu.memory_space<vmem>>
    %dma_wait3A_79 = tpu.memref_slice %arg4[%add3A_56] : memref<1048576xi32, #tpu.memory_space<hbm>> -> memref<16384xi32, #tpu.memory_space<hbm>>
    %dma_wait3A_80 = tpu.memref_slice %arg4[%add3A_56] : memref<1048576xi32, #tpu.memory_space<hbm>> -> memref<16384xi32, #tpu.memory_space<hbm>>
    %dma_wait3A_81 = arith.constant 0 : i32
    %dma_wait3A_82 = tpu.memref_slice %arg6[%dma_wait3A_75, %dma_wait3A_81] : memref<2x16384xi32, #tpu.memory_space<vmem>> -> memref<1x16384xi32, #tpu.memory_space<vmem>>
    %dma_wait3A_83 = tpu.memref_squeeze %dma_wait3A_82 : memref<1x16384xi32, #tpu.memory_space<vmem>> -> memref<16384xi32, #tpu.memory_space<vmem>>
    tpu.wait_dma2 semaphore(%arg11 : memref<!tpu.dma_semaphore, #tpu.memory_space<semaphore_mem>>) src(%dma_wait3A_83 : memref<16384xi32, #tpu.memory_space<vmem>>) dst(%dma_wait3A_80 : memref<16384xi32, #tpu.memory_space<hbm>>)
    return
  }
}

</mosaic_0001>

<sc_bundles>
// kernel: kernel.3.cloned.1.call-start
scs
__scs_entry_jumppad:
0x0: {  	(pc) =	sbr.rel $0x88, $3  }
0x1: {  	(tag) =	ssettag $0x0;
	lr =	simm.s32 $0x1  }
0x2: {  	[smem:$0x3F9E] =	sst lr;
	_ =	strace $0xD0000000  }
0x3: {  	_ = 	snop  }
0x4: {  	_ = 	snop  }
0x5: {  	_ = 	snop  }
0x6: {  	_ = 	snop  }
0x7: {  	_ = 	snop  }
__scs_overlays_trampoline_lowered:
0x8: {  	[smem:$0x3FAD] =	sst s0  }
0x9: {  	[smem:$0x3FAE] =	sst s1  }
0xa: {  	[smem:$0x3FAF] =	sst s2  }
0xb: {  	[smem:$0x3FB0] =	sst s3  }
0xc: {  	[smem:$0x3FB1] =	sst s4  }
0xd: {  	[smem:$0x3FB2] =	sst s5  }
0xe: {  	[smem:$0x3FB3] =	sst s6  }
0xf: {  	[smem:$0x3FB4] =	sst s7  }
0x10: {  	[smem:$0x3FB5] =	sst s8  }
0x11: {  	[smem:$0x3FB6] =	sst s9;
	s0 =	simm.s32 @!p0 $0x0  }
0x12: {  	s1 =	sld [smem:$0x3F9C];
	s0 =	simm.s32 @p0 $0x1  }
0x13: {  	[smem:$0x3FB7] =	sst s0;
	s0 =	simm.s32 @!p1 $0x0  }
0x14: {  	s2 =	sld [smem:$0x3F9B];
	s0 =	simm.s32 @p1 $0x1  }
0x15: {  	[smem:$0x3FB8] =	sst s0;
	s0 =	simm.s32 @!p2 $0x0  }
0x16: {  	s3 =	sld [smem:$0x3FDB];
	s0 =	simm.s32 @p2 $0x1  }
0x17: {  	s4 =	simm.s32 $0x1BF5;
	[smem:$0x3FBA] =	sst s0  }
0x18: {  	s0 =	sld [smem:$0x3F9D];
	_ =	swait.ge [sflag:s4], $0x0  }
0x19: {  	s7 =	sld [smem:$0x3F9E]  }
0x1a: {  	s8 =	sadd.s32 $0xFFFFE003, lr  }
0x1b: {  	s9 =	sadd.s32 $0xFFFFFEF7, lr;
	s5 =	simm.s32 $0xFFFFFFFF;
	p2 =	slt.u32 s8, $0xFFFFF086  }
0x1c: {  	p1 =	slt.u32 s9, $0xF7A;
	s5 =	simm.s32 @!p2 $0x0  }
0x1d: {  	s5 =	simm.s32 @p1 $0x1;
	p0 =	seq.s32 s7, s2  }
0x1e: {  	s7 =	smul.u32 @!p0 $0xF7A, s2;
	p2 =	seq.s32 @!p0 s5, $0x0  }
0x1f: {  	s9 =	smul.u32 $0xF7A, s1;
	s8 =	simm.s32 @!p0 $0x1BF5;
	p2 =	por !p2, p0  }
0x20: {  	[sflag:s8] =	ssyncset.s32 @!p0 $0xFFFFF086;
	s6 =	sadd.s32 @!p0 s3, s7;
	s7 =	simm.s32 @!p0 $0x108  }
0x21: {  	s3 =	sadd.s32 s3, s9;
	s6 =	sadd.s32 @!p0 $0x88, s6;
	s7 =	simm.s32 @p2 $0x1082  }
0x22: {  	[simem:s7], [sflag:s8] =	dma.local @!p0 [hbm:s6], $0xF7A  }
0x23: {  	s9 =	sor.u32 $0xD0000000, s2;
	s6 =	simm.s32 $0x108;
	_ =	swait.ge @!p0 [sflag:s8], $0x0  }
0x24: {  	s3 =	sadd.s32 $0x88, s3;
	s6 =	simm.s32 @!p1 $0x1082;
	[sflag:s4] =	ssyncset.s32 $0xFFFFF086  }
0x25: {  	[simem:s6], [sflag:s4] =	dma.local [hbm:s3], $0xF7A  }
0x26: {  	[smem:$0x3F9E] =	sst s1;
	(tag) =	ssettag s2;
	_ =	strace s9  }
0x27: {  	s1 =	sld [smem:$0x3FAE]  }
0x28: {  	s2 =	sld [smem:$0x3FAF]  }
0x29: {  	s4 =	sld [smem:$0x3FB1]  }
0x2a: {  	p0 =	seq.s32 s5, $0x0;
	s5 =	sld [smem:$0x3FB2]  }
0x2b: {  	s6 =	sld [smem:$0x3FB3]  }
0x2c: {  	s7 =	sld [smem:$0x3FB4]  }
0x2d: {  	s3 =	simm.s32 $0x108;
	s8 =	sld [smem:$0x3FB5]  }
0x2e: {  	s3 =	simm.s32 @!p0 $0x1082;
	s9 =	sld [smem:$0x3FB6]  }
0x2f: {  	lr =	sadd.s32 s0, s3;
	s0 =	sld [smem:$0x3FAD]  }
0x30: {  	s3 =	sld [smem:$0x3FB0]  }
0x31: {  	[smem:$0x3FB9] =	sst s10  }
0x32: {  	s10 =	sld [smem:$0x3FB7];
	_ =	sdelay $0x3  }
0x33: {  	p0 =	seq.s32 s10, $0x1;
	s10 =	sld [smem:$0x3FB9];
	_ =	sdelay $0x3  }
0x34: {  	[smem:$0x3FB9] =	sst s10  }
0x35: {  	s10 =	sld [smem:$0x3FB8];
	_ =	sdelay $0x3  }
0x36: {  	p1 =	seq.s32 s10, $0x1;
	s10 =	sld [smem:$0x3FB9];
	_ =	sdelay $0x3  }
0x37: {  	[smem:$0x3FB9] =	sst s10  }
0x38: {  	s10 =	sld [smem:$0x3FBA]  }
0x39: {  	_ = 	snop;
	(pc) =	sbr.ind lr, $3  }
0x3a: {  	_ = 	snop  }
0x3b: {  	_ = 	snop  }
0x3c: {  	p2 =	seq.s32 s10, $0x1;
	s10 =	sld [smem:$0x3FB9]  }
0x3d: {  	_ =	shalt  }
0x3e: {  	_ =	shalt  }
0x3f: {  	_ =	shalt  }
0x40: {  	_ =	shalt  }
0x41: {  	_ =	shalt  }
0x42: {  	_ =	shalt  }
0x43: {  	_ =	shalt  }
0x44: {  	_ =	shalt  }
0x45: {  	_ =	shalt  }
0x46: {  	_ =	shalt  }
0x47: {  	_ =	shalt  }
0x48: {  	_ =	shalt  }
0x49: {  	_ =	shalt  }
0x4a: {  	_ =	shalt  }
0x4b: {  	_ =	shalt  }
0x4c: {  	_ =	shalt  }
0x4d: {  	_ =	shalt  }
0x4e: {  	_ =	shalt  }
0x4f: {  	_ =	shalt  }
0x50: {  	_ =	shalt  }
0x51: {  	_ =	shalt  }
0x52: {  	_ =	shalt  }
0x53: {  	_ =	shalt  }
0x54: {  	_ =	shalt  }
0x55: {  	_ =	shalt  }
0x56: {  	_ =	shalt  }
0x57: {  	_ =	shalt  }
0x58: {  	_ =	shalt  }
0x59: {  	_ =	shalt  }
0x5a: {  	_ =	shalt  }
0x5b: {  	_ =	shalt  }
0x5c: {  	_ =	shalt  }
0x5d: {  	_ =	shalt  }
0x5e: {  	_ =	shalt  }
0x5f: {  	_ =	shalt  }
0x60: {  	_ =	shalt  }
0x61: {  	_ =	shalt  }
0x62: {  	_ =	shalt  }
0x63: {  	_ =	shalt  }
0x64: {  	_ =	shalt  }
0x65: {  	_ =	shalt  }
0x66: {  	_ =	shalt  }
0x67: {  	_ =	shalt  }
0x68: {  	_ =	shalt  }
0x69: {  	_ =	shalt  }
0x6a: {  	_ =	shalt  }
0x6b: {  	_ =	shalt  }
0x6c: {  	_ =	shalt  }
0x6d: {  	_ =	shalt  }
0x6e: {  	_ =	shalt  }
0x6f: {  	_ =	shalt  }
0x70: {  	_ =	shalt  }
0x71: {  	_ =	shalt  }
0x72: {  	_ =	shalt  }
0x73: {  	_ =	shalt  }
0x74: {  	_ =	shalt  }
0x75: {  	_ =	shalt  }
0x76: {  	_ =	shalt  }
0x77: {  	_ =	shalt  }
0x78: {  	_ =	shalt  }
0x79: {  	_ =	shalt  }
0x7a: {  	_ =	shalt  }
0x7b: {  	_ =	shalt  }
0x7c: {  	_ =	shalt  }
0x7d: {  	_ =	shalt  }
0x7e: {  	_ =	shalt  }
0x7f: {  	_ =	shalt  }
0x80: {  	_ =	shalt  }
0x81: {  	_ =	shalt  }
0x82: {  	_ =	shalt  }
0x83: {  	_ =	shalt  }
0x84: {  	_ =	shalt  }
0x85: {  	_ =	shalt  }
0x86: {  	_ =	shalt  }
0x87: {  	_ =	shalt  }
.Lfunc_end0:
.L_simem_size_0:
called_computation_lowered:
.L_overlay_start_0:
0x88: {  	s2 =	sld [smem:$0x3FD9]  }
0x89: {  	s3 =	sld [smem:$0x3FFE];
	_ =	sdelay $0x1  }
0x8a: {  	s1 =	srdreg.scid  }
0x8b: {  	s0 =	sand.u32 $0x1, s1  }
0x8c: {  	s15 =	sshll.u32 s0, $0xA;
	s2 =	sadd.s32 s3, s2  }
0x8d: {  	s2 =	sadd.s32 s2, s15  }
0x8e: {  	[smem:$0x3FC5] =	sst s2  }
0x8f: {  	_ = 	snop  }
0x90: {  	s2 =	sld [smem:$0x3FD0];
	_ =	sdelay $0x2  }
0x91: {  	s4 =	simm.s32 $0xA;
	s5 =	simm.s32 $0x10;
	s16 =	sld [smem:$0x3FC7]  }
0x92: {  	[smem:s5], [sflag:s4] =	dma.local [hbm:s2], $0x1  }
0x93: {  	_ =	swait.eq [sflag:s4], $0x1  }
0x94: {  	[sflag:s4] =	ssyncset.done $0x0  }
0x95: {  	s17 =	sld [smem:$0x10];
	[sflag:s4] =	ssyncadd.s32 $0xFFFFFFFF  }
0x96: {  	s18 =	sld [smem:$0x11];
	(tm) =	ssettm $0x1  }
0x97: {  	s19 =	sld [smem:$0x3FFB];
	_ =	sdelay $0x3  }
0x98: {  	_ =	strace s19  }
0x99: {  	s5 =	sld [smem:$0x3FFC];
	_ =	sdelay $0x3  }
0x9a: {  	_ =	strace s5  }
0x9b: {  	s5 =	sld [smem:$0x3FFD];
	_ =	sdelay $0x3  }
0x9c: {  	_ =	strace s5  }
0x9d: {  	_ =	strace $0x8FFFFFFF  }
0x9e: {  	s20 =	sld [smem:$0x3FDB];
	_ =	sdelay $0x1  }
0x9f: {  	s6 =	simm.s32 $_scs_section_size  }
0xa0: {  	s7 =	simm.s32 $_size__tile_overlayer_lowered;
	s8 =	simm.s32 $_tile_overlayer_lowered  }
0xa1: {  	s23 =	simm.s32 $0x1BFF;
	s22 =	sshll.u32 s8, $0x1;
	s5 =	sadd.s32 s6, s20  }
0xa2: {  	s9 =	simm.s32 $0x0;
	s21 =	sshll.u32 s7, $0x1;
	s7 =	sadd.s32 s22, s5  }
0xa3: {  	[timem:s9], [sflag:s23] =	dma.local [hbm:s7], s21  }
0xa4: {  	_ =	swait.ge [sflag:s23], s21  }
0xa5: {  	s6 =	ssub.s32 $0x0, s21;
	[sflag:s23] =	ssyncset.done $0x0  }
0xa6: {  	[sflag:s23] =	ssyncadd.s32 s6;
	_ =	sdelay $0x1  }
0xa7: {  	s24 =	simm.s32 $0x1B8B  }
0xa8: {  	_ =	swait.ge [sflag:s24], $0x1  }
0xa9: {  	[sflag:s24] =	ssyncset.done $0x0  }
0xaa: {  	s25 =	simm.s32 $0x1B8E;
	[sflag:s24] =	ssyncadd.s32 $0xFFFFFFFF  }
0xab: {  	s26 =	simm.s32 $execute0_lowered;
	[smem:$0x3FD2] =	sst s25  }
0xac: {  	s6 =	sshll.u32 s26, $0x1;
	_ =	strace $0x80000046;
	[dreg:$0x1] =	wrdreg $0xFFFFFFFF  }
0xad: {  	s28 =	simm.s32 $_size_execute0_lowered;
	s5 =	sadd.s32 s5, s6;
	[dreg:$0x0] =	wrdreg $0x0  }
0xae: {  	s6 =	sshll.u32 s28, $0x1;
	[dreg:$0x2] =	wrdreg s5  }
0xaf: {  	[dreg:$0x3] =	wrdreg s6  }
0xb0: {  	[dreg:$0x4] =	wrdreg $0xC0  }
0xb1: {  	_ =	task [dreg:s9], $0x5FFFF  }
0xb2: {  	[dreg:$0x1] =	wrdreg $0xFFFFFFFF  }
0xb3: {  	[dreg:$0x0] =	wrdreg $0x60  }
0xb4: {  	[dreg:$0x2] =	wrdreg s17  }
0xb5: {  	[dreg:$0x3] =	wrdreg s16  }
0xb6: {  	[dreg:$0x4] =	wrdreg s18  }
0xb7: {  	[dreg:$0x5] =	wrdreg $0x9  }
0xb8: {  	_ =	task.clear_ibuf [dreg:s9], $0x6FFFF;
	_ =	strace $0x90000046  }
0xb9: {  	s29 =	simm.s32 $0x9;
	_ =	strace $0x80000048  }
0xba: {  	_ =	swait.ge [sflag:s29], $0x1  }
0xbb: {  	[sflag:s29] =	ssyncadd.s32 $0xFFFFFFFF  }
0xbc: {  	_ =	strace $0x90000048  }
0xbd: {  	_ =	sfence  }
0xbe: {  	s30 =	sld [smem:$0x0];
	_ =	sdelay $0x2  }
0xbf: {  	s31 =	sshll.u32 s1, $0xD;
	s1 =	sshrl.u32 s1, $0x2  }
0xc0: {  	s3 =	sand.u32 $0x4000, s31;
	s1 =	sadd.s32 s1, s30  }
0xc1: {  	s0 =	sor.u32 s3, s0;
	s1 =	sshll.u32 s1, $0x11  }
0xc2: {  	s0 =	sor.u32 s1, s0  }
0xc3: {  	s0 =	sadd.s32 $0x8F2B, s0  }
0xc4: {  	[sflag:s0] =	ssyncadd.remote.s32 $0x1  }
0xc5: {  	_ =	sfence.sel $0xFFFF  }
0xc6: {  	[dreg:$0x0] =	wrdreg $0xFFFFFFFF;
	(pc) =	sbr.abs _section_cstart, $3  }
0xc7: {  	[dreg:$0x1] =	wrdreg $0xFFFFFFFF  }
0xc8: {  	_ =	task.clear_ibuf [dreg:s9], $0x2FFFF;
	_ =	strace $0x9FFFFFFF  }
0xc9: {  	(tm) =	ssettm $0x7FFFFFFF  }
tec
execute0_lowered:
.L_overlay_start_1:
0x0: {  	(tag) =	ssettag $0x1  }
0x1: {  	s5 =	rddreg [dreg:$0x0]  }
0x2: {  	s1 =	rddreg [dreg:$0x1]  }
0x3: {  	s7 =	rddreg [dreg:$0x2]  }
0x4: {  	s0 =	rddreg [dreg:$0x3];
	s4 =	srdreg.scid  }
0x5: {  	s3 =	simm.s32 $0x0;
	s2 =	stileid.u32;
	s11 =	simm.s32 $0x1  }
0x6: {  	s12 =	simm.s32 $0x2;
	s13 =	simm.s32 $0x3;
	s14 =	simm.s32 $0x4  }
0x7: {  	s15 =	simm.s32 $0x0;
	s4 =	sand.u32 $0x1, s4;
	s8 =	sshll.u32 s2, $0xD  }
0x8: {  	[smem:$0x7FF] =	sst s3;
	s6 =	ssub.s32 $0x2, s4;
	s4 =	sshll.u32 s4, $0xC  }
0x9: {  	_ =	strace $0x80000047;
	s9 =	sshrl.u32 s6, $0x1;
	s8 =	sor.u32 s4, s8  }
0xa: {  	s9 =	ssub.s32 s6, s9;
	s10 =	sor.u32 $0x800, s8;
	s4 =	sadd.s32 s5, s8  }
0xb: {  	s6 =	sadd.s32 s7, s8;
	s5 =	sadd.s32 s5, s10;
	s7 =	sadd.s32 s7, s10  }
0xc: {  	s8 =	smax.u32 s9, $0x1;
	s9 =	simm.s32 $0x10000;
	s10 =	simm.s32 $0x5  }
.LBB2_1:
0xd: {  	[tilespmem:s9], [sflag:$0x5] =	stream.linear.gather [hbm4b:s1+s3], $0x80, $0x38;
	[tilespmem:$0x10080] =	vst v63  }
0xe: {  	s16 =	simm.s32 $0x10  }
0xf: {  	s19 =	sadd.s32 $0x0, s4;
	s17 =	simm.s32 $0x100;
	s18 =	simm.s32 $0x0  }
.LBB2_2:
0x10: {  	[tilespmem:s18], [sflag:$0x1] =	stream.linear.gather [hbm4b:s19+s3], $0x80, $0x38;
	[tilespmem:$0x10080] =	vst v63  }
0x11: {  	s19 =	smov.u32 s16;
	s18 =	smov.u32 s17;
	p0 =	sne.s32 s16, $0x7F0  }
.Ltmp0:
0x12: {  	s16 =	sadd.s32 $0x10, s16;
	(pc) =	sbr.rel @p0 .LBB2_2-.Ltmp0, $2  }
0x13: {  	_ =	sdelay $0x2  }
0x14: {  	s17 =	sadd.s32 $0x100, s17;
	s19 =	sadd.s32 s19, s4  }
0x15: {  	[tilespmem:s18], [sflag:$0x1] =	stream.linear.gather [hbm4b:s19+s3], $0x80, $0x38;
	[tilespmem:$0x10080] =	vst v63  }
0x16: {  	_ =	swait.ge [sflag:s10], $0x80  }
0x17: {  	s16 =	simm.s32 $0x80;
	s17 =	simm.s32 $0x10;
	[sflag:s10] =	ssyncset.done $0x0  }
0x18: {  	s19 =	sadd.s32 $0x0, s5;
	s18 =	simm.s32 $0x180;
	[sflag:s10] =	ssyncadd.s32 $0xFFFFFF80  }
.LBB2_4:
0x19: {  	[tilespmem:s16], [sflag:$0x2] =	stream.linear.gather [hbm4b:s19+s3], $0x80, $0x38;
	[tilespmem:$0x10080] =	vst v63  }
0x1a: {  	s19 =	smov.u32 s17;
	s16 =	smov.u32 s18;
	p0 =	sne.s32 s17, $0x7F0  }
.Ltmp1:
0x1b: {  	s17 =	sadd.s32 $0x10, s17;
	(pc) =	sbr.rel @p0 .LBB2_4-.Ltmp1, $2  }
0x1c: {  	_ =	sdelay $0x2  }
0x1d: {  	s18 =	sadd.s32 $0x100, s18;
	s19 =	sadd.s32 s19, s5  }
0x1e: {  	[tilespmem:s16], [sflag:$0x2] =	stream.linear.gather [hbm4b:s19+s3], $0x80, $0x38;
	[tilespmem:$0x10080] =	vst v63  }
0x1f: {  	_ =	swait.ge [sflag:s11], $0x4000  }
0x20: {  	[sflag:s11] =	ssyncset.done $0x0  }
0x21: {  	s31 =	simm.s32 $0x100;
	[sflag:s11] =	ssyncadd.s32 $0xFFFFC000  }
0x22: {  	v0 =	vld [tilespmem:s31+$0x70]  }
0x23: {  	v1 =	vld [tilespmem:s31+$0xFFFFFF10]  }
0x24: {  	v2 =	vld [tilespmem:s31+$0xFFFFFF20]  }
0x25: {  	v3 =	vld [tilespmem:s31+$0xFFFFFF30]  }
0x26: {  	v4 =	vld [tilespmem:s31+$0xFFFFFF40]  }
0x27: {  	v5 =	vld [tilespmem:s31+$0xFFFFFF50]  }
0x28: {  	v6 =	vld [tilespmem:s31+$0xFFFFFF60]  }
0x29: {  	v7 =	vld [tilespmem:s31+$0xFFFFFF70]  }
0x2a: {  	v8 =	vld [tilespmem:s31+$0x0]  }
0x2b: {  	v9 =	vld [tilespmem:s31+$0x10]  }
0x2c: {  	v10 =	vld [tilespmem:s31+$0x20]  }
0x2d: {  	v11 =	vld [tilespmem:s31+$0x30]  }
0x2e: {  	v12 =	vld [tilespmem:s31+$0x40]  }
0x2f: {  	v13 =	vld [tilespmem:s31+$0x50]  }
0x30: {  	v14 =	vld [tilespmem:s31+$0x60]  }
0x31: {  	v15 =	vld [tilespmem:s31+$0xFFFFFF00]  }
0x32: {  	v0 =	vld.idx.msk [tilespmem:v0+s9+$0x0], $0xffff  }
0x33: {  	v1 =	vld.idx.msk [tilespmem:v1+s9+$0x0], $0xffff  }
0x34: {  	v2 =	vld.idx.msk [tilespmem:v2+s9+$0x0], $0xffff  }
0x35: {  	v3 =	vld.idx.msk [tilespmem:v3+s9+$0x0], $0xffff  }
0x36: {  	v4 =	vld.idx.msk [tilespmem:v4+s9+$0x0], $0xffff  }
0x37: {  	s16 =	simm.s32 $0x8100;
	v5 =	vld.idx.msk [tilespmem:v5+s9+$0x0], $0xffff  }
0x38: {  	v6 =	vld.idx.msk [tilespmem:v6+s9+$0x0], $0xffff;
	[tilespmem:s16+$0x70] =	vst v0  }
0x39: {  	v7 =	vld.idx.msk [tilespmem:v7+s9+$0x0], $0xffff;
	[tilespmem:s16+$0xFFFFFF10] =	vst v1  }
0x3a: {  	v15 =	vld.idx.msk [tilespmem:v15+s9+$0x0], $0xffff;
	[tilespmem:s16+$0xFFFFFF20] =	vst v2  }
0x3b: {  	v8 =	vld.idx.msk [tilespmem:v8+s9+$0x0], $0xffff;
	[tilespmem:s16+$0xFFFFFF30] =	vst v3  }
0x3c: {  	[tilespmem:s16+$0xFFFFFF40] =	vst v4;
	v0 =	vld.idx.msk [tilespmem:v9+s9+$0x0], $0xffff  }
0x3d: {  	[tilespmem:s16+$0xFFFFFF50] =	vst v5;
	v1 =	vld.idx.msk [tilespmem:v10+s9+$0x0], $0xffff  }
0x3e: {  	[tilespmem:s16+$0xFFFFFF60] =	vst v6;
	v2 =	vld.idx.msk [tilespmem:v11+s9+$0x0], $0xffff  }
0x3f: {  	[tilespmem:s16+$0xFFFFFF70] =	vst v7;
	v3 =	vld.idx.msk [tilespmem:v12+s9+$0x0], $0xffff  }
0x40: {  	[tilespmem:s16+$0xFFFFFF00] =	vst v15;
	v4 =	vld.idx.msk [tilespmem:v13+s9+$0x0], $0xffff  }
0x41: {  	s17 =	simm.s32 $0x0;
	s18 =	simm.s32 $0x300;
	[tilespmem:s16+$0x0] =	vst v8;
	v5 =	vld.idx.msk [tilespmem:v14+s9+$0x0], $0xffff  }
.LBB2_6:
0x42: {  	v6 =	vld [tilespmem:s18+$0x70];
	s17 =	sadd.s32 $0x100, s17;
	[tilespmem:s16+$0x10] =	vst v0  }
0x43: {  	v0 =	vld [tilespmem:s18+$0xFFFFFF10];
	p0 =	slt.u32 s17, $0x3F00;
	[tilespmem:s16+$0x20] =	vst v1  }
0x44: {  	v1 =	vld [tilespmem:s18+$0xFFFFFF20];
	[tilespmem:s16+$0x30] =	vst v2  }
0x45: {  	v2 =	vld [tilespmem:s18+$0xFFFFFF30];
	[tilespmem:s16+$0x40] =	vst v3  }
0x46: {  	v3 =	vld [tilespmem:s18+$0xFFFFFF40];
	[tilespmem:s16+$0x50] =	vst v4  }
0x47: {  	v4 =	vld [tilespmem:s18+$0xFFFFFF50];
	[tilespmem:s16+$0x60] =	vst v5  }
0x48: {  	v5 =	vld [tilespmem:s18+$0xFFFFFF60]  }
0x49: {  	v7 =	vld [tilespmem:s18+$0xFFFFFF70]  }
0x4a: {  	v6 =	vld.idx.msk [tilespmem:v6+s9+$0x0], $0xffff  }
0x4b: {  	v8 =	vld [tilespmem:s18+$0x0]  }
0x4c: {  	v9 =	vld [tilespmem:s18+$0x10]  }
0x4d: {  	v10 =	vld [tilespmem:s18+$0x20]  }
0x4e: {  	v11 =	vld [tilespmem:s18+$0x30]  }
0x4f: {  	s16 =	sadd.s32 $0x200, s16;
	v12 =	vld [tilespmem:s18+$0x40]  }
0x50: {  	v13 =	vld [tilespmem:s18+$0x50];
	[tilespmem:s16+$0x70] =	vst v6  }
0x51: {  	v6 =	vld [tilespmem:s18+$0x60]  }
0x52: {  	v14 =	vld [tilespmem:s18+$0xFFFFFF00]  }
0x53: {  	v0 =	vld.idx.msk [tilespmem:v0+s9+$0x0], $0xffff  }
0x54: {  	v1 =	vld.idx.msk [tilespmem:v1+s9+$0x0], $0xffff  }
0x55: {  	v2 =	vld.idx.msk [tilespmem:v2+s9+$0x0], $0xffff  }
0x56: {  	v3 =	vld.idx.msk [tilespmem:v3+s9+$0x0], $0xffff  }
0x57: {  	v4 =	vld.idx.msk [tilespmem:v4+s9+$0x0], $0xffff  }
0x58: {  	v5 =	vld.idx.msk [tilespmem:v5+s9+$0x0], $0xffff  }
0x59: {  	[tilespmem:s16+$0xFFFFFF10] =	vst v0;
	v7 =	vld.idx.msk [tilespmem:v7+s9+$0x0], $0xffff  }
0x5a: {  	v14 =	vld.idx.msk [tilespmem:v14+s9+$0x0], $0xffff;
	[tilespmem:s16+$0xFFFFFF20] =	vst v1  }
0x5b: {  	[tilespmem:s16+$0xFFFFFF30] =	vst v2;
	v8 =	vld.idx.msk [tilespmem:v8+s9+$0x0], $0xffff  }
0x5c: {  	[tilespmem:s16+$0xFFFFFF40] =	vst v3;
	v0 =	vld.idx.msk [tilespmem:v9+s9+$0x0], $0xffff  }
.Ltmp2:
0x5d: {  	[tilespmem:s16+$0xFFFFFF50] =	vst v4;
	v1 =	vld.idx.msk [tilespmem:v10+s9+$0x0], $0xffff;
	(pc) =	sbr.rel @p0 .LBB2_6-.Ltmp2, $4  }
0x5e: {  	[tilespmem:s16+$0xFFFFFF60] =	vst v5;
	v2 =	vld.idx.msk [tilespmem:v11+s9+$0x0], $0xffff  }
0x5f: {  	[tilespmem:s16+$0xFFFFFF70] =	vst v7;
	v3 =	vld.idx.msk [tilespmem:v12+s9+$0x0], $0xffff  }
0x60: {  	[tilespmem:s16+$0xFFFFFF00] =	vst v14;
	v4 =	vld.idx.msk [tilespmem:v13+s9+$0x0], $0xffff  }
0x61: {  	s18 =	sadd.s32 $0x200, s18;
	[tilespmem:s16+$0x0] =	vst v8;
	v5 =	vld.idx.msk [tilespmem:v6+s9+$0x0], $0xffff  }
0x62: {  	[tilespmem:s16+$0x10] =	vst v0  }
0x63: {  	[tilespmem:s16+$0x20] =	vst v1  }
0x64: {  	[tilespmem:s16+$0x30] =	vst v2  }
0x65: {  	[tilespmem:s16+$0x40] =	vst v3  }
0x66: {  	s17 =	simm.s32 $0x8000;
	[tilespmem:s16+$0x50] =	vst v4  }
0x67: {  	s19 =	sadd.s32 $0x0, s6;
	s18 =	simm.s32 $0x8100;
	[tilespmem:s16+$0x60] =	vst v5;
	s16 =	simm.s32 $0x10  }
.LBB2_8:
0x68: {  	[hbm4b:s19+s3] =	stream.linear.scatter [tilespmem:s17], [sflag:$0x3], $0x80, $0x38;
	[tilespmem:$0x10080] =	vst v63  }
0x69: {  	s19 =	smov.u32 s16;
	s17 =	smov.u32 s18;
	p0 =	sne.s32 s16, $0x7F0  }
.Ltmp3:
0x6a: {  	s16 =	sadd.s32 $0x10, s16;
	(pc) =	sbr.rel @p0 .LBB2_8-.Ltmp3, $2  }
0x6b: {  	_ =	sdelay $0x2  }
0x6c: {  	s18 =	sadd.s32 $0x100, s18;
	s19 =	sadd.s32 s19, s6  }
0x6d: {  	[hbm4b:s19+s3] =	stream.linear.scatter [tilespmem:s17], [sflag:$0x3], $0x80, $0x38;
	[tilespmem:$0x10080] =	vst v63  }
0x6e: {  	_ =	swait.ge [sflag:s12], $0x4000  }
0x6f: {  	[sflag:s12] =	ssyncset.done $0x0  }
0x70: {  	s16 =	simm.s32 $0x180;
	[sflag:s12] =	ssyncadd.s32 $0xFFFFC000  }
0x71: {  	v0 =	vld [tilespmem:s16+$0x70]  }
0x72: {  	v1 =	vld [tilespmem:s16+$0xFFFFFF10]  }
0x73: {  	v2 =	vld [tilespmem:s16+$0xFFFFFF20]  }
0x74: {  	v3 =	vld [tilespmem:s16+$0xFFFFFF30]  }
0x75: {  	v4 =	vld [tilespmem:s16+$0xFFFFFF40]  }
0x76: {  	v5 =	vld [tilespmem:s16+$0xFFFFFF50]  }
0x77: {  	v6 =	vld [tilespmem:s16+$0xFFFFFF60]  }
0x78: {  	v7 =	vld [tilespmem:s16+$0xFFFFFF70]  }
0x79: {  	v8 =	vld [tilespmem:s16+$0x0]  }
0x7a: {  	v9 =	vld [tilespmem:s16+$0x10]  }
0x7b: {  	v10 =	vld [tilespmem:s16+$0x20]  }
0x7c: {  	v11 =	vld [tilespmem:s16+$0x30]  }
0x7d: {  	v12 =	vld [tilespmem:s16+$0x40]  }
0x7e: {  	v13 =	vld [tilespmem:s16+$0x50]  }
0x7f: {  	v14 =	vld [tilespmem:s16+$0x60]  }
0x80: {  	v15 =	vld [tilespmem:s16+$0xFFFFFF00]  }
0x81: {  	v0 =	vld.idx.msk [tilespmem:v0+s9+$0x0], $0xffff  }
0x82: {  	v1 =	vld.idx.msk [tilespmem:v1+s9+$0x0], $0xffff  }
0x83: {  	v2 =	vld.idx.msk [tilespmem:v2+s9+$0x0], $0xffff  }
0x84: {  	v3 =	vld.idx.msk [tilespmem:v3+s9+$0x0], $0xffff  }
0x85: {  	v4 =	vld.idx.msk [tilespmem:v4+s9+$0x0], $0xffff  }
0x86: {  	s16 =	simm.s32 $0x8180;
	v5 =	vld.idx.msk [tilespmem:v5+s9+$0x0], $0xffff  }
0x87: {  	v6 =	vld.idx.msk [tilespmem:v6+s9+$0x0], $0xffff;
	[tilespmem:s16+$0x70] =	vst v0  }
0x88: {  	v7 =	vld.idx.msk [tilespmem:v7+s9+$0x0], $0xffff;
	[tilespmem:s16+$0xFFFFFF10] =	vst v1  }
0x89: {  	v15 =	vld.idx.msk [tilespmem:v15+s9+$0x0], $0xffff;
	[tilespmem:s16+$0xFFFFFF20] =	vst v2  }
0x8a: {  	v8 =	vld.idx.msk [tilespmem:v8+s9+$0x0], $0xffff;
	[tilespmem:s16+$0xFFFFFF30] =	vst v3  }
0x8b: {  	[tilespmem:s16+$0xFFFFFF40] =	vst v4;
	v0 =	vld.idx.msk [tilespmem:v9+s9+$0x0], $0xffff  }
0x8c: {  	[tilespmem:s16+$0xFFFFFF50] =	vst v5;
	v1 =	vld.idx.msk [tilespmem:v10+s9+$0x0], $0xffff  }
0x8d: {  	[tilespmem:s16+$0xFFFFFF60] =	vst v6;
	v2 =	vld.idx.msk [tilespmem:v11+s9+$0x0], $0xffff  }
0x8e: {  	[tilespmem:s16+$0xFFFFFF70] =	vst v7;
	v3 =	vld.idx.msk [tilespmem:v12+s9+$0x0], $0xffff  }
0x8f: {  	[tilespmem:s16+$0xFFFFFF00] =	vst v15;
	v4 =	vld.idx.msk [tilespmem:v13+s9+$0x0], $0xffff  }
0x90: {  	s17 =	simm.s32 $0x0;
	s18 =	simm.s32 $0x380;
	[tilespmem:s16+$0x0] =	vst v8;
	v5 =	vld.idx.msk [tilespmem:v14+s9+$0x0], $0xffff  }
.LBB2_10:
0x91: {  	v6 =	vld [tilespmem:s18+$0x70];
	s17 =	sadd.s32 $0x100, s17;
	[tilespmem:s16+$0x10] =	vst v0  }
0x92: {  	v0 =	vld [tilespmem:s18+$0xFFFFFF10];
	p0 =	slt.u32 s17, $0x3F00;
	[tilespmem:s16+$0x20] =	vst v1  }
0x93: {  	v1 =	vld [tilespmem:s18+$0xFFFFFF20];
	[tilespmem:s16+$0x30] =	vst v2  }
0x94: {  	v2 =	vld [tilespmem:s18+$0xFFFFFF30];
	[tilespmem:s16+$0x40] =	vst v3  }
0x95: {  	v3 =	vld [tilespmem:s18+$0xFFFFFF40];
	[tilespmem:s16+$0x50] =	vst v4  }
0x96: {  	v4 =	vld [tilespmem:s18+$0xFFFFFF50];
	[tilespmem:s16+$0x60] =	vst v5  }
0x97: {  	v5 =	vld [tilespmem:s18+$0xFFFFFF60]  }
0x98: {  	v7 =	vld [tilespmem:s18+$0xFFFFFF70]  }
0x99: {  	v6 =	vld.idx.msk [tilespmem:v6+s9+$0x0], $0xffff  }
0x9a: {  	v8 =	vld [tilespmem:s18+$0x0]  }
0x9b: {  	v9 =	vld [tilespmem:s18+$0x10]  }
0x9c: {  	v10 =	vld [tilespmem:s18+$0x20]  }
0x9d: {  	v11 =	vld [tilespmem:s18+$0x30]  }
0x9e: {  	s16 =	sadd.s32 $0x200, s16;
	v12 =	vld [tilespmem:s18+$0x40]  }
0x9f: {  	v13 =	vld [tilespmem:s18+$0x50];
	[tilespmem:s16+$0x70] =	vst v6  }
0xa0: {  	v6 =	vld [tilespmem:s18+$0x60]  }
0xa1: {  	v14 =	vld [tilespmem:s18+$0xFFFFFF00]  }
0xa2: {  	v0 =	vld.idx.msk [tilespmem:v0+s9+$0x0], $0xffff  }
0xa3: {  	v1 =	vld.idx.msk [tilespmem:v1+s9+$0x0], $0xffff  }
0xa4: {  	v2 =	vld.idx.msk [tilespmem:v2+s9+$0x0], $0xffff  }
0xa5: {  	v3 =	vld.idx.msk [tilespmem:v3+s9+$0x0], $0xffff  }
0xa6: {  	v4 =	vld.idx.msk [tilespmem:v4+s9+$0x0], $0xffff  }
0xa7: {  	v5 =	vld.idx.msk [tilespmem:v5+s9+$0x0], $0xffff  }
0xa8: {  	[tilespmem:s16+$0xFFFFFF10] =	vst v0;
	v7 =	vld.idx.msk [tilespmem:v7+s9+$0x0], $0xffff  }
0xa9: {  	v14 =	vld.idx.msk [tilespmem:v14+s9+$0x0], $0xffff;
	[tilespmem:s16+$0xFFFFFF20] =	vst v1  }
0xaa: {  	[tilespmem:s16+$0xFFFFFF30] =	vst v2;
	v8 =	vld.idx.msk [tilespmem:v8+s9+$0x0], $0xffff  }
0xab: {  	[tilespmem:s16+$0xFFFFFF40] =	vst v3;
	v0 =	vld.idx.msk [tilespmem:v9+s9+$0x0], $0xffff  }
.Ltmp4:
0xac: {  	[tilespmem:s16+$0xFFFFFF50] =	vst v4;
	v1 =	vld.idx.msk [tilespmem:v10+s9+$0x0], $0xffff;
	(pc) =	sbr.rel @p0 .LBB2_10-.Ltmp4, $4  }
0xad: {  	[tilespmem:s16+$0xFFFFFF60] =	vst v5;
	v2 =	vld.idx.msk [tilespmem:v11+s9+$0x0], $0xffff  }
0xae: {  	[tilespmem:s16+$0xFFFFFF70] =	vst v7;
	v3 =	vld.idx.msk [tilespmem:v12+s9+$0x0], $0xffff  }
0xaf: {  	[tilespmem:s16+$0xFFFFFF00] =	vst v14;
	v4 =	vld.idx.msk [tilespmem:v13+s9+$0x0], $0xffff  }
0xb0: {  	s18 =	sadd.s32 $0x200, s18;
	[tilespmem:s16+$0x0] =	vst v8;
	v5 =	vld.idx.msk [tilespmem:v6+s9+$0x0], $0xffff  }
0xb1: {  	[tilespmem:s16+$0x10] =	vst v0  }
0xb2: {  	[tilespmem:s16+$0x20] =	vst v1  }
0xb3: {  	[tilespmem:s16+$0x30] =	vst v2  }
0xb4: {  	[tilespmem:s16+$0x40] =	vst v3  }
0xb5: {  	s17 =	simm.s32 $0x8080;
	[tilespmem:s16+$0x50] =	vst v4  }
0xb6: {  	s19 =	sadd.s32 $0x0, s7;
	s18 =	simm.s32 $0x8180;
	[tilespmem:s16+$0x60] =	vst v5;
	s16 =	simm.s32 $0x10  }
.LBB2_12:
0xb7: {  	[hbm4b:s19+s3] =	stream.linear.scatter [tilespmem:s17], [sflag:$0x4], $0x80, $0x38;
	[tilespmem:$0x10080] =	vst v63  }
0xb8: {  	s19 =	smov.u32 s16;
	s17 =	smov.u32 s18;
	p0 =	sne.s32 s16, $0x7F0  }
.Ltmp5:
0xb9: {  	s16 =	sadd.s32 $0x10, s16;
	(pc) =	sbr.rel @p0 .LBB2_12-.Ltmp5, $2  }
0xba: {  	_ =	sdelay $0x2  }
0xbb: {  	s18 =	sadd.s32 $0x100, s18;
	s19 =	sadd.s32 s19, s7  }
0xbc: {  	[hbm4b:s19+s3] =	stream.linear.scatter [tilespmem:s17], [sflag:$0x4], $0x80, $0x38;
	[tilespmem:$0x10080] =	vst v63  }
0xbd: {  	s15 =	sadd.s32 $0x1, s15  }
0xbe: {  	_ =	swait.ge [sflag:s13], $0x4000;
	p0 =	sne.s32 s15, s8  }
.Ltmp6:
0xbf: {  	[sflag:s13] =	ssyncset.done $0x0;
	(pc) =	sbr.rel @p0 .LBB2_1-.Ltmp6, $4  }
0xc0: {  	[sflag:s13] =	ssyncadd.s32 $0xFFFFC000  }
0xc1: {  	_ =	swait.ge [sflag:s14], $0x4000  }
0xc2: {  	[sflag:s14] =	ssyncset.done $0x0  }
0xc3: {  	[sflag:s14] =	ssyncadd.s32 $0xFFFFC000  }
0xc4: {  	_ =	sfence.sel $0x180000  }
0xc5: {  	[bflag:$0x0] =	sbarrier.arrive $0xFFFF  }
0xc6: {  	p0 =	sne.s32 s2, $0x0;
	_ =	strace $0x90000047  }
0xc7: {  	s0 =	sadd.s32 @!p0 $0x100000, s0;
	[bflag:$0x2] =	sbarrier.arrive $0xFFFF  }
0xc8: {  	[sflag:s0] =	ssyncadd.tile.s32 @!p0 $0x1;
	_ =	shalt  }
.Lfunc_end2:
_tile_overlayer_lowered:
.L_overlay_start_2:
0xc9: {  	(tag) =	ssettag $0x2  }
0xca: {  	s0 =	rddreg [dreg:$0x0];
	s2 =	stileid.u32  }
0xcb: {  	s1 =	rddreg [dreg:$0x1];
	p0 =	sne.s32 s2, $0x0  }
0xcc: {  	s3 =	rddreg [dreg:$0x2];
	[bflag:$0x3] =	sbarrier.arrive $0xFFFF;
	s2 =	simm.s32 @!p0 $0x1C06  }
0xcd: {  	[timem:s3], [sflag:s2] =	dma.local @!p0 [hbm:s0], s1  }
0xce: {  	s0 =	simm.s32 @!p0 $0x6  }
0xcf: {  	_ =	swait.ge @!p0 [sflag:s0], s1  }
0xd0: {  	s1 =	ssub.s32 @!p0 $0x0, s1;
	[sflag:s0] =	ssyncset.done @!p0 $0x0  }
0xd1: {  	[sflag:s0] =	ssyncadd.s32 @!p0 s1  }
0xd2: {  	[bflag:$0x3] =	sbarrier.arrive $0xFFFF  }
0xd3: {  	_ =	shalt  }

</sc_bundles>
